<compile_context>
chip_gen: v7x
topology: tpu7x:2x2x1
jax: 0.10.2.dev20260603
libtpu: 0.0.44.dev20260713+nightly
codegen_flags: <defaults>
</compile_context>

<pallas_src>
import functools

import jax
import jax.numpy as jnp
from jax import lax
from jax.experimental import pallas as pl
from jax.experimental.pallas import tpu as pltpu
from jax.experimental.pallas import tpu_sc as plsc

_B = 16384
_A = 4
_NC = 1
_NS = 16
_L = 16
_NW = _NC * _NS
_CHUNK = _B // _NW


def _sc_body(u_hbm, cho_hbm, u_v, cho_v):
    wid = lax.axis_index("s") * _NC + lax.axis_index("c")
    base = wid * _CHUNK
    pltpu.sync_copy(u_hbm.at[pl.ds(base, _CHUNK)], u_v)

    quarter = jnp.full((_L,), 0.25, jnp.float32)
    half = jnp.full((_L,), 0.5, jnp.float32)
    three_q = jnp.full((_L,), 0.75, jnp.float32)
    one = jnp.full((_L,), 1.0, jnp.float32)
    zeros = jnp.zeros((_L,), jnp.int32)
    ones = jnp.full((_L,), 1, jnp.int32)

    @plsc.parallel_loop(0, _CHUNK, step=_L, unroll=4)
    def body(s):
        uv = u_v[pl.ds(s, _L)]
        c = lax.select(uv > quarter, ones, zeros)
        c = c + lax.select(uv > half, ones, zeros)
        c = c + lax.select(uv > three_q, ones, zeros)
        c = c + lax.select(uv > one, ones, zeros)
        cho_v[pl.ds(s, _L)] = c

    pltpu.sync_copy(cho_v, cho_hbm.at[pl.ds(base, _CHUNK)])


_sc_choices = functools.partial(
    pl.kernel,
    out_type=jax.ShapeDtypeStruct((_B,), jnp.int32),
    mesh=plsc.VectorSubcoreMesh(
        core_axis_name="c", subcore_axis_name="s", num_cores=_NC
    ),
    scratch_types=[
        pltpu.VMEM((_CHUNK,), jnp.float32),
        pltpu.VMEM((_CHUNK,), jnp.int32),
    ],
    compiler_params=pltpu.CompilerParams(skip_device_barrier=True),
)(_sc_body)


def _tc_pmf_body(pmf_ref):
    pmf_ref[...] = jnp.full((_B * _A // 128, 128), 0.25, jnp.float32)


_tc_pmf = pl.pallas_call(
    _tc_pmf_body,
    out_shape=jax.ShapeDtypeStruct((_B * _A // 128, 128), jnp.float32),
)


def kernel(current_states, u):
    del current_states
    choices = _sc_choices(u.reshape(_B))
    pmf2 = _tc_pmf()
    pmfs = pmf2.reshape(128, _A, 128).transpose(0, 2, 1).reshape(_B, _A)
    return pmfs, choices

# --- scband reference (transcript-rebuilt; emitter-appended) ---
"""Pipeline reference for scband-eps-greedy-actor-model-13623636262976 (READ-ONLY COPY).

The authoritative reference and input builder live on the scoring server;
editing this copy changes nothing except your own understanding.
"""

import jax, jax.numpy as jnp
import numpy as np

EPSILON = 1.0
NUM_ACTIONS = 4
BATCH = 16384


def setup_inputs(seed: int = 0) -> dict:
    key = jax.random.key(seed)
    k1, k2 = jax.random.split(key)
    current_states = jax.random.randint(k1, (BATCH,), 0, 1000000)
    # torch.rand(len(cdfs), 1) inside sample_actions -> materialized here for determinism
    u = jax.random.uniform(k2, (BATCH, 1), dtype=jnp.float32)
    return {"current_states": current_states, "u": u}


def reference(current_states, u):
    # EpsGreedyActorModel.choose_actions with epsilon == 1.0 (state_value_vectors=None path)
    B = current_states.shape[0]
    pmfs = jnp.ones((B, NUM_ACTIONS), dtype=jnp.float32) * (EPSILON / NUM_ACTIONS)
    # GridWorldActorModel.sample_actions: inverse-CDF categorical sampling
    cdfs = jnp.cumsum(pmfs, axis=-1)
    choices = jnp.sum((u > cdfs).astype(jnp.int32), axis=-1)
    return pmfs, choices

if __name__ == "__main__":
    import jax
    _d = setup_inputs()
    print(jax.jit(kernel)(*tuple(_d.values())))

</pallas_src>

<mosaic_0001>
#map = affine_map<(d0, d1) -> (0)>
module attributes {stable_mosaic.version = 14 : i64} {
  func.func @_sc_body(%arg0: i32, %arg1: i32, %arg2: memref<16384xf32, #tpu.memory_space<hbm>>, %arg3: memref<16384xi32, #tpu.memory_space<hbm>>, %arg4: memref<1024xf32, #tpu.memory_space<vmem>>, %arg5: memref<1024xi32, #tpu.memory_space<vmem>>) attributes {dimension_semantics = [#tpu.dimension_semantics<core_parallel>, #tpu.dimension_semantics<subcore_parallel>], iteration_bounds = array<i64: 1, 16>, scalar_prefetch = 0 : i64, scratch_operands = 2 : i64, tpu.core_type = #tpu.core_type<sc_vector_subcore>, window_params = [{transform_indices = #map}, {transform_indices = #map}]} {
    %mul3A = arith.constant 1 : i32
    %mul3A_0 = arith.muli %arg1, %mul3A : i32
    %add3A = arith.addi %mul3A_0, %arg0 : i32
    %mul3A_1 = arith.constant 1024 : i32
    %mul3A_2 = arith.muli %add3A, %mul3A_1 : i32
    "tpu.region"() ({
      %run_scoped3A = tpu.sem_alloc : memref<!tpu.dma_semaphore, #tpu.memory_space<semaphore_mem>>
      %dma_start3A = tpu.memref_slice %arg2[%mul3A_2] : memref<16384xf32, #tpu.memory_space<hbm>> -> memref<1024xf32, #tpu.memory_space<hbm>>
      %dma_start3A_16 = tpu.memref_slice %arg2[%mul3A_2] : memref<16384xf32, #tpu.memory_space<hbm>> -> memref<1024xf32, #tpu.memory_space<hbm>>
      tpu.enqueue_dma source(%dma_start3A_16 : memref<1024xf32, #tpu.memory_space<hbm>>) target(%arg4 : memref<1024xf32, #tpu.memory_space<vmem>>) target_semaphore(%run_scoped3A : memref<!tpu.dma_semaphore, #tpu.memory_space<semaphore_mem>>)
      %dma_wait3A = tpu.memref_slice %arg2[%mul3A_2] : memref<16384xf32, #tpu.memory_space<hbm>> -> memref<1024xf32, #tpu.memory_space<hbm>>
      %dma_wait3A_17 = tpu.memref_slice %arg2[%mul3A_2] : memref<16384xf32, #tpu.memory_space<hbm>> -> memref<1024xf32, #tpu.memory_space<hbm>>
      tpu.wait_dma2 semaphore(%run_scoped3A : memref<!tpu.dma_semaphore, #tpu.memory_space<semaphore_mem>>) src(%dma_wait3A_17 : memref<1024xf32, #tpu.memory_space<hbm>>) dst(%arg4 : memref<1024xf32, #tpu.memory_space<vmem>>)
      tpu.yield
    }) : () -> ()
    %broadcast_in_dim3A = arith.constant 2.500000e-01 : f32
    %broadcast_in_dim3A_3 = vector.broadcast %broadcast_in_dim3A : f32 to vector<16xf32>
    %broadcast_in_dim3A_4 = arith.constant 5.000000e-01 : f32
    %broadcast_in_dim3A_5 = vector.broadcast %broadcast_in_dim3A_4 : f32 to vector<16xf32>
    %broadcast_in_dim3A_6 = arith.constant 7.500000e-01 : f32
    %broadcast_in_dim3A_7 = vector.broadcast %broadcast_in_dim3A_6 : f32 to vector<16xf32>
    %broadcast_in_dim3A_8 = arith.constant 1.000000e+00 : f32
    %broadcast_in_dim3A_9 = vector.broadcast %broadcast_in_dim3A_8 : f32 to vector<16xf32>
    %broadcast_in_dim3A_10 = arith.constant 0 : i32
    %broadcast_in_dim3A_11 = vector.broadcast %broadcast_in_dim3A_10 : i32 to vector<16xi32>
    %broadcast_in_dim3A_12 = arith.constant 1 : i32
    %broadcast_in_dim3A_13 = vector.broadcast %broadcast_in_dim3A_12 : i32 to vector<16xi32>
    %parallel_loop3A = arith.constant 0 : i32
    %parallel_loop3A_14 = arith.constant 1024 : i32
    %parallel_loop3A_15 = arith.constant 16 : i32
    scf.for %parallel_loop3A_16 = %parallel_loop3A to %parallel_loop3A_14 step %parallel_loop3A_15  : i32 {
      %parallel_loop3A_17 = arith.index_cast %parallel_loop3A_16 : i32 to index
      %parallel_loop3A_18 = tpu.vector_load %arg4[%parallel_loop3A_17] {strides = array<i32>} : memref<1024xf32, #tpu.memory_space<vmem>>, vector<16xf32>,
      %parallel_loop3A_19 = vector.shape_cast %parallel_loop3A_18 : vector<16xf32> to vector<16xf32>
      %parallel_loop3A_20 = arith.cmpf ogt, %parallel_loop3A_19, %broadcast_in_dim3A_3 : vector<16xf32>
      %parallel_loop3A_21 = arith.select %parallel_loop3A_20, %broadcast_in_dim3A_13, %broadcast_in_dim3A_11 : vector<16xi1>, vector<16xi32>
      %parallel_loop3A_22 = arith.cmpf ogt, %parallel_loop3A_19, %broadcast_in_dim3A_5 : vector<16xf32>
      %parallel_loop3A_23 = arith.select %parallel_loop3A_22, %broadcast_in_dim3A_13, %broadcast_in_dim3A_11 : vector<16xi1>, vector<16xi32>
      %parallel_loop3A_24 = arith.addi %parallel_loop3A_21, %parallel_loop3A_23 : vector<16xi32>
      %parallel_loop3A_25 = arith.cmpf ogt, %parallel_loop3A_19, %broadcast_in_dim3A_7 : vector<16xf32>
      %parallel_loop3A_26 = arith.select %parallel_loop3A_25, %broadcast_in_dim3A_13, %broadcast_in_dim3A_11 : vector<16xi1>, vector<16xi32>
      %parallel_loop3A_27 = arith.addi %parallel_loop3A_24, %parallel_loop3A_26 : vector<16xi32>
      %parallel_loop3A_28 = arith.cmpf ogt, %parallel_loop3A_19, %broadcast_in_dim3A_9 : vector<16xf32>
      %parallel_loop3A_29 = arith.select %parallel_loop3A_28, %broadcast_in_dim3A_13, %broadcast_in_dim3A_11 : vector<16xi1>, vector<16xi32>
      %parallel_loop3A_30 = arith.addi %parallel_loop3A_27, %parallel_loop3A_29 : vector<16xi32>
      %parallel_loop3A_31 = arith.index_cast %parallel_loop3A_16 : i32 to index
      %parallel_loop3A_32 = tpu.vector_load %arg5[%parallel_loop3A_31] {strides = array<i32>} : memref<1024xi32, #tpu.memory_space<vmem>>, vector<16xi32>,
      %parallel_loop3A_33 = vector.shape_cast %parallel_loop3A_32 : vector<16xi32> to vector<16xi32>
      %parallel_loop3A_34 = vector.shape_cast %parallel_loop3A_30 : vector<16xi32> to vector<16xi32>
      tpu.vector_store %arg5[%parallel_loop3A_31], %parallel_loop3A_34 {strides = array<i32>} : memref<1024xi32, #tpu.memory_space<vmem>>, vector<16xi32>,
    } {sc.loop_unroll_factor = 4 : i64, sc.parallel_access}
    "tpu.region"() ({
      %run_scoped3A = tpu.sem_alloc : memref<!tpu.dma_semaphore, #tpu.memory_space<semaphore_mem>>
      %dma_start3A = tpu.memref_slice %arg3[%mul3A_2] : memref<16384xi32, #tpu.memory_space<hbm>> -> memref<1024xi32, #tpu.memory_space<hbm>>
      %dma_start3A_16 = tpu.memref_slice %arg3[%mul3A_2] : memref<16384xi32, #tpu.memory_space<hbm>> -> memref<1024xi32, #tpu.memory_space<hbm>>
      tpu.enqueue_dma source(%arg5 : memref<1024xi32, #tpu.memory_space<vmem>>) target(%dma_start3A_16 : memref<1024xi32, #tpu.memory_space<hbm>>) target_semaphore(%run_scoped3A : memref<!tpu.dma_semaphore, #tpu.memory_space<semaphore_mem>>)
      %dma_wait3A = tpu.memref_slice %arg3[%mul3A_2] : memref<16384xi32, #tpu.memory_space<hbm>> -> memref<1024xi32, #tpu.memory_space<hbm>>
      %dma_wait3A_17 = tpu.memref_slice %arg3[%mul3A_2] : memref<16384xi32, #tpu.memory_space<hbm>> -> memref<1024xi32, #tpu.memory_space<hbm>>
      tpu.wait_dma2 semaphore(%run_scoped3A : memref<!tpu.dma_semaphore, #tpu.memory_space<semaphore_mem>>) src(%arg5 : memref<1024xi32, #tpu.memory_space<vmem>>) dst(%dma_wait3A_17 : memref<1024xi32, #tpu.memory_space<hbm>>)
      tpu.yield
    }) : () -> ()
    return
  }
}

module attributes {stable_mosaic.version = 14 : i64} {
  func.func @_tc_pmf_body(%arg0: memref<512x128xf32, #tpu.memory_space<vmem>>) attributes {dimension_semantics = [], scalar_prefetch = 0 : i64, scratch_operands = 0 : i64, tpu.core_type = #tpu.core_type<tc>} {
    %broadcast_in_dim3A = arith.constant 2.500000e-01 : f32
    %broadcast_in_dim3A_0 = vector.broadcast %broadcast_in_dim3A : f32 to vector<512x128xf32>
    %swap3A = arith.constant 0 : index
    %swap3A_1 = arith.constant 0 : index
    %swap3A_2 = vector.load %arg0[%swap3A, %swap3A_1] : memref<512x128xf32, #tpu.memory_space<vmem>>, vector<512x128xf32>
    tpu.vector_store %arg0[%swap3A, %swap3A_1], %broadcast_in_dim3A_0 {strides = array<i32>} : memref<512x128xf32, #tpu.memory_space<vmem>>, vector<512x128xf32>,
    return
  }
}

</mosaic_0001>

<sc_bundles>
// kernel: kernel.4.cloned.1.call-start
scs
__scs_entry_jumppad:
0x0: {  	(pc) =	sbr.rel $0x88, $3  }
0x1: {  	(tag) =	ssettag $0x0;
	lr =	simm.s32 $0x1  }
0x2: {  	[smem:$0x3FA0] =	sst lr;
	_ =	strace $0xD0000000  }
0x3: {  	_ = 	snop  }
0x4: {  	_ = 	snop  }
0x5: {  	_ = 	snop  }
0x6: {  	_ = 	snop  }
0x7: {  	_ = 	snop  }
__scs_overlays_trampoline_lowered:
0x8: {  	[smem:$0x3FAF] =	sst s0  }
0x9: {  	[smem:$0x3FB0] =	sst s1  }
0xa: {  	[smem:$0x3FB1] =	sst s2  }
0xb: {  	[smem:$0x3FB2] =	sst s3  }
0xc: {  	[smem:$0x3FB3] =	sst s4  }
0xd: {  	[smem:$0x3FB4] =	sst s5  }
0xe: {  	[smem:$0x3FB5] =	sst s6  }
0xf: {  	[smem:$0x3FB6] =	sst s7  }
0x10: {  	[smem:$0x3FB7] =	sst s8  }
0x11: {  	[smem:$0x3FB8] =	sst s9;
	s0 =	simm.s32 @!p0 $0x0  }
0x12: {  	s1 =	sld [smem:$0x3F9E];
	s0 =	simm.s32 @p0 $0x1  }
0x13: {  	[smem:$0x3FB9] =	sst s0;
	s0 =	simm.s32 @!p1 $0x0  }
0x14: {  	s2 =	sld [smem:$0x3F9D];
	s0 =	simm.s32 @p1 $0x1  }
0x15: {  	[smem:$0x3FBA] =	sst s0;
	s0 =	simm.s32 @!p2 $0x0  }
0x16: {  	s3 =	sld [smem:$0x3FDB];
	s0 =	simm.s32 @p2 $0x1  }
0x17: {  	s4 =	simm.s32 $0x1BF5;
	[smem:$0x3FBC] =	sst s0  }
0x18: {  	s0 =	sld [smem:$0x3F9F];
	_ =	swait.ge [sflag:s4], $0x0  }
0x19: {  	s7 =	sld [smem:$0x3FA0]  }
0x1a: {  	s8 =	sadd.s32 $0xFFFFE003, lr  }
0x1b: {  	s9 =	sadd.s32 $0xFFFFFEF7, lr;
	s5 =	simm.s32 $0xFFFFFFFF;
	p2 =	slt.u32 s8, $0xFFFFF086  }
0x1c: {  	p1 =	slt.u32 s9, $0xF7A;
	s5 =	simm.s32 @!p2 $0x0  }
0x1d: {  	s5 =	simm.s32 @p1 $0x1;
	p0 =	seq.s32 s7, s2  }
0x1e: {  	s7 =	smul.u32 @!p0 $0xF7A, s2;
	p2 =	seq.s32 @!p0 s5, $0x0  }
0x1f: {  	s9 =	smul.u32 $0xF7A, s1;
	s8 =	simm.s32 @!p0 $0x1BF5;
	p2 =	por !p2, p0  }
0x20: {  	[sflag:s8] =	ssyncset.s32 @!p0 $0xFFFFF086;
	s6 =	sadd.s32 @!p0 s3, s7;
	s7 =	simm.s32 @!p0 $0x108  }
0x21: {  	s3 =	sadd.s32 s3, s9;
	s6 =	sadd.s32 @!p0 $0x88, s6;
	s7 =	simm.s32 @p2 $0x1082  }
0x22: {  	[simem:s7], [sflag:s8] =	dma.local @!p0 [hbm:s6], $0xF7A  }
0x23: {  	s9 =	sor.u32 $0xD0000000, s2;
	s6 =	simm.s32 $0x108;
	_ =	swait.ge @!p0 [sflag:s8], $0x0  }
0x24: {  	s3 =	sadd.s32 $0x88, s3;
	s6 =	simm.s32 @!p1 $0x1082;
	[sflag:s4] =	ssyncset.s32 $0xFFFFF086  }
0x25: {  	[simem:s6], [sflag:s4] =	dma.local [hbm:s3], $0xF7A  }
0x26: {  	[smem:$0x3FA0] =	sst s1;
	(tag) =	ssettag s2;
	_ =	strace s9  }
0x27: {  	s1 =	sld [smem:$0x3FB0]  }
0x28: {  	s2 =	sld [smem:$0x3FB1]  }
0x29: {  	s4 =	sld [smem:$0x3FB3]  }
0x2a: {  	p0 =	seq.s32 s5, $0x0;
	s5 =	sld [smem:$0x3FB4]  }
0x2b: {  	s6 =	sld [smem:$0x3FB5]  }
0x2c: {  	s7 =	sld [smem:$0x3FB6]  }
0x2d: {  	s3 =	simm.s32 $0x108;
	s8 =	sld [smem:$0x3FB7]  }
0x2e: {  	s3 =	simm.s32 @!p0 $0x1082;
	s9 =	sld [smem:$0x3FB8]  }
0x2f: {  	lr =	sadd.s32 s0, s3;
	s0 =	sld [smem:$0x3FAF]  }
0x30: {  	s3 =	sld [smem:$0x3FB2]  }
0x31: {  	[smem:$0x3FBB] =	sst s10  }
0x32: {  	s10 =	sld [smem:$0x3FB9];
	_ =	sdelay $0x3  }
0x33: {  	p0 =	seq.s32 s10, $0x1;
	s10 =	sld [smem:$0x3FBB];
	_ =	sdelay $0x3  }
0x34: {  	[smem:$0x3FBB] =	sst s10  }
0x35: {  	s10 =	sld [smem:$0x3FBA];
	_ =	sdelay $0x3  }
0x36: {  	p1 =	seq.s32 s10, $0x1;
	s10 =	sld [smem:$0x3FBB];
	_ =	sdelay $0x3  }
0x37: {  	[smem:$0x3FBB] =	sst s10  }
0x38: {  	s10 =	sld [smem:$0x3FBC]  }
0x39: {  	_ = 	snop;
	(pc) =	sbr.ind lr, $3  }
0x3a: {  	_ = 	snop  }
0x3b: {  	_ = 	snop  }
0x3c: {  	p2 =	seq.s32 s10, $0x1;
	s10 =	sld [smem:$0x3FBB]  }
0x3d: {  	_ =	shalt  }
0x3e: {  	_ =	shalt  }
0x3f: {  	_ =	shalt  }
0x40: {  	_ =	shalt  }
0x41: {  	_ =	shalt  }
0x42: {  	_ =	shalt  }
0x43: {  	_ =	shalt  }
0x44: {  	_ =	shalt  }
0x45: {  	_ =	shalt  }
0x46: {  	_ =	shalt  }
0x47: {  	_ =	shalt  }
0x48: {  	_ =	shalt  }
0x49: {  	_ =	shalt  }
0x4a: {  	_ =	shalt  }
0x4b: {  	_ =	shalt  }
0x4c: {  	_ =	shalt  }
0x4d: {  	_ =	shalt  }
0x4e: {  	_ =	shalt  }
0x4f: {  	_ =	shalt  }
0x50: {  	_ =	shalt  }
0x51: {  	_ =	shalt  }
0x52: {  	_ =	shalt  }
0x53: {  	_ =	shalt  }
0x54: {  	_ =	shalt  }
0x55: {  	_ =	shalt  }
0x56: {  	_ =	shalt  }
0x57: {  	_ =	shalt  }
0x58: {  	_ =	shalt  }
0x59: {  	_ =	shalt  }
0x5a: {  	_ =	shalt  }
0x5b: {  	_ =	shalt  }
0x5c: {  	_ =	shalt  }
0x5d: {  	_ =	shalt  }
0x5e: {  	_ =	shalt  }
0x5f: {  	_ =	shalt  }
0x60: {  	_ =	shalt  }
0x61: {  	_ =	shalt  }
0x62: {  	_ =	shalt  }
0x63: {  	_ =	shalt  }
0x64: {  	_ =	shalt  }
0x65: {  	_ =	shalt  }
0x66: {  	_ =	shalt  }
0x67: {  	_ =	shalt  }
0x68: {  	_ =	shalt  }
0x69: {  	_ =	shalt  }
0x6a: {  	_ =	shalt  }
0x6b: {  	_ =	shalt  }
0x6c: {  	_ =	shalt  }
0x6d: {  	_ =	shalt  }
0x6e: {  	_ =	shalt  }
0x6f: {  	_ =	shalt  }
0x70: {  	_ =	shalt  }
0x71: {  	_ =	shalt  }
0x72: {  	_ =	shalt  }
0x73: {  	_ =	shalt  }
0x74: {  	_ =	shalt  }
0x75: {  	_ =	shalt  }
0x76: {  	_ =	shalt  }
0x77: {  	_ =	shalt  }
0x78: {  	_ =	shalt  }
0x79: {  	_ =	shalt  }
0x7a: {  	_ =	shalt  }
0x7b: {  	_ =	shalt  }
0x7c: {  	_ =	shalt  }
0x7d: {  	_ =	shalt  }
0x7e: {  	_ =	shalt  }
0x7f: {  	_ =	shalt  }
0x80: {  	_ =	shalt  }
0x81: {  	_ =	shalt  }
0x82: {  	_ =	shalt  }
0x83: {  	_ =	shalt  }
0x84: {  	_ =	shalt  }
0x85: {  	_ =	shalt  }
0x86: {  	_ =	shalt  }
0x87: {  	_ =	shalt  }
.Lfunc_end0:
.L_simem_size_0:
called_computation_lowered:
.L_overlay_start_0:
0x88: {  	s0 =	sld [smem:$0x3FD9]  }
0x89: {  	s1 =	sld [smem:$0x3FFE];
	_ =	sdelay $0x3  }
0x8a: {  	s0 =	sadd.s32 s1, s0  }
0x8b: {  	[smem:$0x3FC7] =	sst s0  }
0x8c: {  	_ = 	snop  }
0x8d: {  	s0 =	sld [smem:$0x3FD0];
	_ =	sdelay $0x2  }
0x8e: {  	s2 =	simm.s32 $0xA;
	s3 =	simm.s32 $0x10;
	s14 =	sld [smem:$0x3FC9]  }
0x8f: {  	[smem:s3], [sflag:s2] =	dma.local [hbm:s0], $0x1  }
0x90: {  	_ =	swait.eq [sflag:s2], $0x1  }
0x91: {  	[sflag:s2] =	ssyncset.done $0x0  }
0x92: {  	[sflag:s2] =	ssyncadd.s32 $0xFFFFFFFF  }
0x93: {  	s15 =	sld [smem:$0x11];
	(tm) =	ssettm $0x1  }
0x94: {  	s16 =	sld [smem:$0x3FFB];
	_ =	sdelay $0x3  }
0x95: {  	_ =	strace s16  }
0x96: {  	s2 =	sld [smem:$0x3FFC];
	_ =	sdelay $0x3  }
0x97: {  	_ =	strace s2  }
0x98: {  	s2 =	sld [smem:$0x3FFD];
	_ =	sdelay $0x3  }
0x99: {  	_ =	strace s2  }
0x9a: {  	_ =	strace $0x8FFFFFFF  }
0x9b: {  	s17 =	sld [smem:$0x3FDB];
	_ =	sdelay $0x1  }
0x9c: {  	s18 =	simm.s32 $_scs_section_size  }
0x9d: {  	s4 =	simm.s32 $_size__tile_overlayer_lowered;
	s5 =	simm.s32 $_tile_overlayer_lowered  }
0x9e: {  	s21 =	simm.s32 $0x1BFF;
	s20 =	sshll.u32 s5, $0x1;
	s2 =	sadd.s32 s18, s17  }
0x9f: {  	s6 =	simm.s32 $0x0;
	s19 =	sshll.u32 s4, $0x1;
	s4 =	sadd.s32 s20, s2  }
0xa0: {  	[timem:s6], [sflag:s21] =	dma.local [hbm:s4], s19  }
0xa1: {  	_ =	swait.ge [sflag:s21], s19  }
0xa2: {  	s3 =	ssub.s32 $0x0, s19;
	[sflag:s21] =	ssyncset.done $0x0  }
0xa3: {  	[sflag:s21] =	ssyncadd.s32 s3;
	_ =	sdelay $0x1  }
0xa4: {  	s22 =	simm.s32 $0x1B8B  }
0xa5: {  	_ =	swait.ge [sflag:s22], $0x1  }
0xa6: {  	[sflag:s22] =	ssyncset.done $0x0  }
0xa7: {  	s23 =	simm.s32 $0x1B8E;
	[sflag:s22] =	ssyncadd.s32 $0xFFFFFFFF  }
0xa8: {  	s24 =	simm.s32 $execute0_lowered;
	[smem:$0x3FD2] =	sst s23  }
0xa9: {  	s3 =	sshll.u32 s24, $0x1;
	_ =	strace $0x80000046;
	[dreg:$0x1] =	wrdreg $0xFFFFFFFF  }
0xaa: {  	s25 =	simm.s32 $_size_execute0_lowered;
	s2 =	sadd.s32 s2, s3;
	[dreg:$0x0] =	wrdreg $0x0  }
0xab: {  	s3 =	sshll.u32 s25, $0x1;
	[dreg:$0x2] =	wrdreg s2  }
0xac: {  	[dreg:$0x3] =	wrdreg s3  }
0xad: {  	[dreg:$0x4] =	wrdreg $0xC0  }
0xae: {  	_ =	task [dreg:s6], $0x5FFFF  }
0xaf: {  	[dreg:$0x1] =	wrdreg $0xFFFFFFFF  }
0xb0: {  	[dreg:$0x0] =	wrdreg $0x60  }
0xb1: {  	[dreg:$0x2] =	wrdreg s14  }
0xb2: {  	[dreg:$0x3] =	wrdreg s15  }
0xb3: {  	[dreg:$0x4] =	wrdreg $0x9  }
0xb4: {  	_ =	task.clear_ibuf [dreg:s6], $0x5FFFF;
	_ =	strace $0x90000046  }
0xb5: {  	s26 =	simm.s32 $0x9;
	_ =	strace $0x80000048  }
0xb6: {  	_ =	swait.ge [sflag:s26], $0x1  }
0xb7: {  	[sflag:s26] =	ssyncadd.s32 $0xFFFFFFFF  }
0xb8: {  	_ =	strace $0x90000048  }
0xb9: {  	_ =	sfence  }
0xba: {  	s28 =	sld [smem:$0x0];
	_ =	sdelay $0x1  }
0xbb: {  	s29 =	srdreg.scid  }
0xbc: {  	s30 =	sshll.u32 s29, $0xD;
	s31 =	sshrl.u32 s29, $0x2  }
0xbd: {  	s1 =	sand.u32 $0x1, s29;
	s2 =	sand.u32 $0x4000, s30;
	s0 =	sadd.s32 s31, s28  }
0xbe: {  	s1 =	sor.u32 s2, s1;
	s0 =	sshll.u32 s0, $0x11  }
0xbf: {  	s0 =	sor.u32 s0, s1  }
0xc0: {  	s0 =	sadd.s32 $0x8F2B, s0  }
0xc1: {  	[sflag:s0] =	ssyncadd.remote.s32 $0x1  }
0xc2: {  	_ =	sfence.sel $0xFFFF  }
0xc3: {  	[dreg:$0x0] =	wrdreg $0xFFFFFFFF;
	(pc) =	sbr.abs _section_cstart, $3  }
0xc4: {  	[dreg:$0x1] =	wrdreg $0xFFFFFFFF  }
0xc5: {  	_ =	task.clear_ibuf [dreg:s6], $0x2FFFF;
	_ =	strace $0x9FFFFFFF  }
0xc6: {  	(tm) =	ssettm $0x7FFFFFFF  }
0xc7: {  	_ =	shalt  }
tec
execute0_lowered:
.L_overlay_start_1:
0x0: {  	(tag) =	ssettag $0x1  }
0x1: {  	s4 =	rddreg [dreg:$0x0]  }
0x2: {  	s2 =	rddreg [dreg:$0x1]  }
0x3: {  	s0 =	rddreg [dreg:$0x2];
	s5 =	simm.s32 $0x0;
	s1 =	stileid.u32  }
0x4: {  	[smem:$0x7FF] =	sst s5;
	s3 =	sshll.u32 s1, $0x7  }
0x5: {  	s30 =	simm.s32 $0x1;
	_ =	strace $0x80000047;
	s4 =	sadd.s32 s4, s3  }
0x6: {  	[tilespmem:s5], [sflag:$0x1] =	stream.linear.gather [hbm4b:s4+s5], $0x400, $0x38;
	[tilespmem:$0x800] =	vst v63  }
0x7: {  	_ =	swait.ge [sflag:s30], $0x400  }
0x8: {  	[sflag:s30] =	ssyncset.done $0x0  }
0x9: {  	s31 =	simm.s32 $0x20;
	[sflag:s30] =	ssyncadd.s32 $0xFFFFFC00  }
0xa: {  	v4 =	vld [tilespmem:s31+$0x10]  }
0xb: {  	v1 =	vld [tilespmem:s31+$0xFFFFFFF0]  }
0xc: {  	v2 =	vld [tilespmem:s31+$0x0];
	_ =	sdelay $0x1  }
0xd: {  	v3 =	vld [tilespmem:s31+$0xFFFFFFE0];
	_ =	sdelay $0x1  }
0xe: {  	v0 =	vimm.s32 $0x0;
	vm0 =	vgt.f32 v4, $2.500000000e-01;
	vm1 =	vgt.f32 v4, $5.000000000e-01  }
0xf: {  	vm2 =	vgt.f32 v1, $2.500000000e-01;
	vm3 =	vgt.f32 v1, $5.000000000e-01;
	vm4 =	vgt.f32 v2, $2.500000000e-01  }
0x10: {  	vm5 =	vgt.f32 v2, $5.000000000e-01;
	v5 =	vsel vm0, $0x1, v0;
	v6 =	vsel vm1, $0x1, v0  }
0x11: {  	vm0 =	vgt.f32 v4, $7.500000000e-01;
	vm1 =	vgt.f32 v3, $2.500000000e-01;
	v7 =	vsel vm2, $0x1, v0  }
0x12: {  	v8 =	vsel vm3, $0x1, v0;
	v9 =	vsel vm4, $0x1, v0;
	v10 =	vsel vm5, $0x1, v0  }
0x13: {  	v5 =	vadd.s32 v6, v5;
	v6 =	vsel vm0, $0x1, v0;
	vm0 =	vgt.f32 v4, $1.000000000e+00  }
0x14: {  	vm2 =	vgt.f32 v2, $7.500000000e-01;
	v4 =	vadd.s32 v6, v5;
	v5 =	vsel vm0, $0x1, v0  }
0x15: {  	vm0 =	vgt.f32 v3, $5.000000000e-01;
	v4 =	vadd.s32 v5, v4;
	v5 =	vsel vm1, $0x1, v0  }
0x16: {  	s4 =	simm.s32 $0x420;
	v6 =	vsel vm0, $0x1, v0;
	vm0 =	vgt.f32 v3, $7.500000000e-01;
	vm1 =	vgt.f32 v1, $7.500000000e-01  }
0x17: {  	s6 =	simm.s32 $0x60;
	s5 =	simm.s32 $0x0;
	[tilespmem:s4+$0x10] =	vst v4;
	v6 =	vadd.s32 v6, v5;
	v5 =	vadd.s32 v8, v7;
	v4 =	vadd.s32 v10, v9  }
.LBB2_1:
0x18: {  	v7 =	vld [tilespmem:s6+$0x10];
	s5 =	sadd.s32 $0x40, s5;
	v8 =	vsel vm0, $0x1, v0;
	v9 =	vsel vm1, $0x1, v0;
	v10 =	vsel vm2, $0x1, v0  }
0x19: {  	vm0 =	vgt.f32 v3, $1.000000000e+00;
	vm1 =	vgt.f32 v1, $1.000000000e+00;
	vm2 =	vgt.f32 v2, $1.000000000e+00;
	p0 =	slt.u32 s5, $0x3C0;
	v1 =	vld [tilespmem:s6+$0xFFFFFFF0]  }
0x1a: {  	v6 =	vadd.s32 v8, v6;
	v5 =	vadd.s32 v9, v5;
	v4 =	vadd.s32 v10, v4;
	v2 =	vld [tilespmem:s6+$0x0]  }
0x1b: {  	v8 =	vsel vm0, $0x1, v0;
	v9 =	vsel vm1, $0x1, v0;
	v10 =	vsel vm2, $0x1, v0;
	v3 =	vld [tilespmem:s6+$0xFFFFFFE0]  }
0x1c: {  	v6 =	vadd.s32 v8, v6;
	v5 =	vadd.s32 v9, v5;
	v4 =	vadd.s32 v10, v4  }
0x1d: {  	vm0 =	vgt.f32 v7, $2.500000000e-01;
	vm1 =	vgt.f32 v7, $5.000000000e-01;
	[tilespmem:s4+$0xFFFFFFE0] =	vst v6  }
0x1e: {  	v6 =	vsel vm0, $0x1, v0;
	v8 =	vsel vm1, $0x1, v0;
	vm0 =	vgt.f32 v7, $7.500000000e-01;
	[tilespmem:s4+$0xFFFFFFF0] =	vst v5  }
0x1f: {  	v5 =	vadd.s32 v8, v6;
	v6 =	vsel vm0, $0x1, v0;
	vm0 =	vgt.f32 v7, $1.000000000e+00;
	[tilespmem:s4+$0x0] =	vst v4  }
0x20: {  	vm1 =	vgt.f32 v3, $2.500000000e-01;
	v4 =	vadd.s32 v6, v5;
	v5 =	vsel vm0, $0x1, v0  }
0x21: {  	vm2 =	vgt.f32 v1, $2.500000000e-01;
	s4 =	sadd.s32 $0x40, s4;
	vm0 =	vgt.f32 v3, $5.000000000e-01;
	v4 =	vadd.s32 v5, v4  }
.Ltmp0:
0x22: {  	vm3 =	vgt.f32 v1, $5.000000000e-01;
	vm4 =	vgt.f32 v2, $2.500000000e-01;
	vm5 =	vgt.f32 v2, $5.000000000e-01;
	[tilespmem:s4+$0x10] =	vst v4;
	(pc) =	sbr.rel @p0 .LBB2_1-.Ltmp0, $4  }
0x23: {  	v7 =	vsel vm2, $0x1, v0;
	v5 =	vsel vm0, $0x1, v0;
	v4 =	vsel vm1, $0x1, v0  }
0x24: {  	v8 =	vsel vm3, $0x1, v0;
	v9 =	vsel vm4, $0x1, v0;
	v10 =	vsel vm5, $0x1, v0  }
0x25: {  	vm2 =	vgt.f32 v2, $7.500000000e-01;
	vm0 =	vgt.f32 v3, $7.500000000e-01;
	vm1 =	vgt.f32 v1, $7.500000000e-01  }
0x26: {  	s6 =	sadd.s32 $0x40, s6;
	v6 =	vadd.s32 v5, v4;
	v5 =	vadd.s32 v8, v7;
	v4 =	vadd.s32 v10, v9  }
0x27: {  	v7 =	vsel vm0, $0x1, v0;
	v8 =	vsel vm1, $0x1, v0  }
0x28: {  	v9 =	vsel vm2, $0x1, v0;
	vm13 =	vgt.f32 v3, $1.000000000e+00;
	vm14 =	vgt.f32 v1, $1.000000000e+00  }
0x29: {  	vm15 =	vgt.f32 v2, $1.000000000e+00;
	v58 =	vadd.s32 v7, v6;
	v59 =	vsel vm13, $0x1, v0  }
0x2a: {  	v60 =	vadd.s32 v8, v5;
	v61 =	vsel vm14, $0x1, v0;
	v1 =	vadd.s32 v59, v58  }
0x2b: {  	v62 =	vadd.s32 v9, v4;
	v63 =	vsel vm15, $0x1, v0;
	v3 =	vadd.s32 v61, v60;
	[tilespmem:s4+$0xFFFFFFE0] =	vst v1  }
0x2c: {  	s2 =	sadd.s32 s2, s3;
	v0 =	vadd.s32 v63, v62;
	[tilespmem:s4+$0xFFFFFFF0] =	vst v3  }
0x2d: {  	s29 =	simm.s32 $0x0;
	s30 =	simm.s32 $0x400;
	s31 =	simm.s32 $0x1;
	[tilespmem:s4+$0x0] =	vst v0  }
0x2e: {  	[hbm4b:s2+s29] =	stream.linear.scatter [tilespmem:s30], [sflag:$0x1], $0x400, $0x38;
	[tilespmem:$0x800] =	vst v63  }
0x2f: {  	_ =	swait.ge [sflag:s31], $0x400  }
0x30: {  	[sflag:s31] =	ssyncset.done $0x0  }
0x31: {  	[sflag:s31] =	ssyncadd.s32 $0xFFFFFC00  }
0x32: {  	_ =	sfence.sel $0x180000  }
0x33: {  	[bflag:$0x0] =	sbarrier.arrive $0xFFFF  }
0x34: {  	p0 =	sne.s32 s1, $0x0;
	_ =	strace $0x90000047  }
0x35: {  	s0 =	sadd.s32 @!p0 $0x100000, s0;
	[bflag:$0x2] =	sbarrier.arrive $0xFFFF  }
0x36: {  	[sflag:s0] =	ssyncadd.tile.s32 @!p0 $0x1;
	_ =	shalt  }
.Lfunc_end2:
_tile_overlayer_lowered:
.L_overlay_start_2:
0x37: {  	(tag) =	ssettag $0x2  }
0x38: {  	s0 =	rddreg [dreg:$0x0];
	s2 =	stileid.u32  }
0x39: {  	s1 =	rddreg [dreg:$0x1];
	p0 =	sne.s32 s2, $0x0  }
0x3a: {  	s3 =	rddreg [dreg:$0x2];
	[bflag:$0x3] =	sbarrier.arrive $0xFFFF;
	s2 =	simm.s32 @!p0 $0x1C01  }
0x3b: {  	[timem:s3], [sflag:s2] =	dma.local @!p0 [hbm:s0], s1  }
0x3c: {  	s0 =	simm.s32 @!p0 $0x1  }
0x3d: {  	_ =	swait.ge @!p0 [sflag:s0], s1  }
0x3e: {  	s1 =	ssub.s32 @!p0 $0x0, s1;
	[sflag:s0] =	ssyncset.done @!p0 $0x0  }
0x3f: {  	[sflag:s0] =	ssyncadd.s32 @!p0 s1  }
0x40: {  	[bflag:$0x3] =	sbarrier.arrive $0xFFFF  }
0x41: {  	_ =	shalt  }

</sc_bundles>
